<compile_context>
chip_gen: v7x
topology: tpu7x:2x2x1
jax: 0.10.2.dev20260603
libtpu: 0.0.44.dev20260713+nightly
codegen_flags: <defaults>
</compile_context>

<pallas_src>
import functools

import jax
import jax.numpy as jnp
from jax import lax
from jax.experimental import pallas as pl
from jax.experimental.pallas import tpu as pltpu
from jax.experimental.pallas import tpu_sc as plsc

_BETA = 0.25


@functools.cache
def _make_sc_gather(n, d):
    info = plsc.get_sparse_core_info()
    nc, ns, nl = info.num_cores, info.num_subcores, info.num_lanes
    nw = nc * ns
    bpw = n // nw
    mesh = plsc.VectorSubcoreMesh(core_axis_name="c", subcore_axis_name="s")

    @functools.partial(
        pl.kernel,
        out_type=[
            jax.ShapeDtypeStruct((n, d), jnp.float32),
            jax.ShapeDtypeStruct((nw * nl,), jnp.float32),
        ],
        mesh=mesh,
        compiler_params=pltpu.CompilerParams(use_tc_tiling_on_sc=False),
        scratch_types=[
            pltpu.VMEM((bpw,), jnp.int32),
            pltpu.VMEM((bpw, d), jnp.float32),
            pltpu.VMEM((bpw, d), jnp.float32),
            pltpu.VMEM((nl,), jnp.float32),
            pltpu.SemaphoreType.DMA,
        ],
    )
    def sc_k(emb_hbm, idx_hbm, lat_hbm, st_hbm, loss_hbm,
             idx_v, q_v, lat_v, acc_v, sem):
        wid = lax.axis_index("s") * nc + lax.axis_index("c")
        base = wid * bpw
        pltpu.sync_copy(idx_hbm.at[pl.ds(base, bpw)], idx_v)
        pltpu.async_copy(emb_hbm.at[idx_v], q_v, sem).wait()
        pltpu.sync_copy(lat_hbm.at[pl.ds(base, bpw), :], lat_v)

        def row_body(r, acc):
            for h in range(d // nl):
                sl = pl.ds(h * nl, nl)
                q = q_v[r, sl]
                l = lat_v[r, sl]
                diff = q - l
                q_v[r, sl] = l + diff
                acc = acc + diff * diff
            return acc

        acc = lax.fori_loop(0, bpw, row_body, jnp.zeros((nl,), jnp.float32))
        acc_v[...] = acc
        pltpu.sync_copy(q_v, st_hbm.at[pl.ds(base, bpw), :])
        pltpu.sync_copy(acc_v, loss_hbm.at[pl.ds(wid * nl, nl)])

    return sc_k


def _loss_body(parts_ref, out_ref, *, scale):
    out_ref[0, 0] = jnp.sum(parts_ref[...]) * scale


def _loss_reduce(loss_parts, n, d):
    scale = (1.0 + _BETA) / float(n * d)
    out = pl.pallas_call(
        functools.partial(_loss_body, scale=scale),
        out_shape=jax.ShapeDtypeStruct((1, 1), jnp.float32),
        out_specs=pl.BlockSpec(memory_space=pltpu.SMEM),
    )(loss_parts.reshape(1, -1))
    return out[0, 0]


def kernel(latents, epc, embedding):
    b, t, d = latents.shape
    n = b * t
    flat = latents.reshape(n, d)
    dist = (jnp.sum(flat ** 2, axis=1, keepdims=True)
            + jnp.sum(embedding ** 2, axis=1)
            - 2.0 * flat @ embedding.T)
    inds = jnp.argmin(dist, axis=1)
    q_aux = embedding[inds]
    inds, q_aux_b, emb_1d, flat_1d = lax.optimization_barrier(
        (inds, q_aux, embedding.reshape(-1), flat.reshape(-1)))
    emb_sc = emb_1d.reshape(embedding.shape)
    flat_sc = flat_1d.reshape(n, d)
    st_flat, loss_parts = _make_sc_gather(n, d)(emb_sc, inds, flat_sc)
    vq_loss = _loss_reduce(loss_parts, n, d)
    vq_loss = vq_loss + 0.0 * jnp.sum(q_aux_b)
    return st_flat.reshape(b, t, d), vq_loss, inds.reshape(1, n)

# --- scband reference (transcript-rebuilt; emitter-appended) ---
"""Pipeline reference for scband-vector-quantizer-3865470566539 (READ-ONLY COPY).

The authoritative reference and input builder live on the scoring server;
editing this copy changes nothing except your own understanding.
"""

import jax, jax.numpy as jnp
import numpy as np

K = 8192
D = 32
B = 8
T = 4096
BETA = 0.25

def setup_inputs(seed: int = 0) -> dict:
    key = jax.random.key(seed)
    k1, k2 = jax.random.split(key)
    latents = jax.random.normal(k1, (B, T, D), dtype=jnp.float32)
    embedding = jax.random.uniform(k2, (K, D), dtype=jnp.float32, minval=-1.0 / K, maxval=1.0 / K)
    return {"latents": latents, "epc": 1, "embedding": embedding}

def reference(latents, epc, embedding):
    b, t, d = latents.shape
    flat_latents = latents.reshape(b * t, d)
    dist = (jnp.sum(flat_latents ** 2, axis=1, keepdims=True)
            + jnp.sum(embedding ** 2, axis=1)
            - 2.0 * flat_latents @ embedding.T)
    encoding_inds = jnp.argmin(dist, axis=1)
    n = b * t
    one_hot = jnp.zeros((n, embedding.shape[0]), dtype=flat_latents.dtype)
    one_hot = one_hot.at[jnp.arange(n), encoding_inds].set(1.0)
    quantized = (one_hot @ embedding).reshape(latents.shape)
    commitment_loss = jnp.mean((jax.lax.stop_gradient(quantized) - latents) ** 2)
    embedding_loss = jnp.mean((quantized - jax.lax.stop_gradient(latents)) ** 2)
    vq_loss = embedding_loss + BETA * commitment_loss
    quantized_st = latents + jax.lax.stop_gradient(quantized - latents)
    return (quantized_st, vq_loss, encoding_inds[None, :])

if __name__ == "__main__":
    import jax
    _d = setup_inputs()
    print(jax.jit(kernel)(*tuple(_d.values())))

</pallas_src>

<mosaic_0001>
#map = affine_map<(d0, d1) -> (0, 0)>
#map1 = affine_map<(d0, d1) -> (0)>
module attributes {stable_mosaic.version = 14 : i64} {
  func.func @sc_k(%arg0: i32, %arg1: i32, %arg2: memref<8192x32xf32, #tpu.memory_space<hbm>>, %arg3: memref<32768xi32, #tpu.memory_space<hbm>>, %arg4: memref<32768x32xf32, #tpu.memory_space<hbm>>, %arg5: memref<32768x32xf32, #tpu.memory_space<hbm>>, %arg6: memref<512xf32, #tpu.memory_space<hbm>>, %arg7: memref<1024xi32, #tpu.memory_space<vmem>>, %arg8: memref<1024x32xf32, #tpu.memory_space<vmem>>, %arg9: memref<1024x32xf32, #tpu.memory_space<vmem>>, %arg10: memref<16xf32, #tpu.memory_space<vmem>>, %arg11: memref<!tpu.dma_semaphore, #tpu.memory_space<semaphore_mem>>) attributes {dimension_semantics = [#tpu.dimension_semantics<core_parallel>, #tpu.dimension_semantics<subcore_parallel>], iteration_bounds = array<i64: 2, 16>, scalar_prefetch = 0 : i64, scratch_operands = 5 : i64, tpu.core_type = #tpu.core_type<sc_vector_subcore>, window_params = [{transform_indices = #map}, {transform_indices = #map1}, {transform_indices = #map}, {transform_indices = #map}, {transform_indices = #map1}]} {
    %mul3A = arith.constant 2 : i32
    %mul3A_0 = arith.muli %arg1, %mul3A : i32
    %add3A = arith.addi %mul3A_0, %arg0 : i32
    %mul3A_1 = arith.constant 1024 : i32
    %mul3A_2 = arith.muli %add3A, %mul3A_1 : i32
    "tpu.region"() ({
      %run_scoped3A = tpu.sem_alloc : memref<!tpu.dma_semaphore, #tpu.memory_space<semaphore_mem>>
      %dma_start3A_18 = tpu.memref_slice %arg3[%mul3A_2] : memref<32768xi32, #tpu.memory_space<hbm>> -> memref<1024xi32, #tpu.memory_space<hbm>>
      %dma_start3A_19 = tpu.memref_slice %arg3[%mul3A_2] : memref<32768xi32, #tpu.memory_space<hbm>> -> memref<1024xi32, #tpu.memory_space<hbm>>
      tpu.enqueue_dma source(%dma_start3A_19 : memref<1024xi32, #tpu.memory_space<hbm>>) target(%arg7 : memref<1024xi32, #tpu.memory_space<vmem>>) target_semaphore(%run_scoped3A : memref<!tpu.dma_semaphore, #tpu.memory_space<semaphore_mem>>)
      %dma_wait3A_20 = tpu.memref_slice %arg3[%mul3A_2] : memref<32768xi32, #tpu.memory_space<hbm>> -> memref<1024xi32, #tpu.memory_space<hbm>>
      %dma_wait3A_21 = tpu.memref_slice %arg3[%mul3A_2] : memref<32768xi32, #tpu.memory_space<hbm>> -> memref<1024xi32, #tpu.memory_space<hbm>>
      tpu.wait_dma2 semaphore(%run_scoped3A : memref<!tpu.dma_semaphore, #tpu.memory_space<semaphore_mem>>) src(%dma_wait3A_21 : memref<1024xi32, #tpu.memory_space<hbm>>) dst(%arg7 : memref<1024xi32, #tpu.memory_space<vmem>>)
      tpu.yield
    }) : () -> ()
    %dma_start3A = arith.constant 0 : i32
    %dma_start3A_3 = arith.constant 0 : i32
    %dma_start3A_4 = tpu.memref_slice %arg2[%dma_start3A, %dma_start3A_3] : memref<8192x32xf32, #tpu.memory_space<hbm>> -> memref<8192x32xf32, #tpu.memory_space<hbm>>
    tpu.enqueue_indirect_dma source(%dma_start3A_4 : memref<8192x32xf32, #tpu.memory_space<hbm>>) target(%arg8 : memref<1024x32xf32, #tpu.memory_space<vmem>>) offsets(%arg7 : memref<1024xi32, #tpu.memory_space<vmem>>) semaphore(%arg11 : memref<!tpu.dma_semaphore, #tpu.memory_space<semaphore_mem>>)
    %dma_wait3A = arith.constant 0 : i32
    %dma_wait3A_5 = arith.constant 0 : i32
    %dma_wait3A_6 = tpu.memref_slice %arg2[%dma_wait3A, %dma_wait3A_5] : memref<8192x32xf32, #tpu.memory_space<hbm>> -> memref<8192x32xf32, #tpu.memory_space<hbm>>
    tpu.wait_indirect_dma semaphore(%arg11 : memref<!tpu.dma_semaphore, #tpu.memory_space<semaphore_mem>>) src(%dma_wait3A_6 : memref<8192x32xf32, #tpu.memory_space<hbm>>) dst(%arg8 : memref<1024x32xf32, #tpu.memory_space<vmem>>)
    "tpu.region"() ({
      %run_scoped3A = tpu.sem_alloc : memref<!tpu.dma_semaphore, #tpu.memory_space<semaphore_mem>>
      %dma_start3A_18 = arith.constant 0 : i32
      %dma_start3A_19 = tpu.memref_slice %arg4[%mul3A_2, %dma_start3A_18] : memref<32768x32xf32, #tpu.memory_space<hbm>> -> memref<1024x32xf32, #tpu.memory_space<hbm>>
      %dma_start3A_20 = arith.constant 0 : i32
      %dma_start3A_21 = tpu.memref_slice %arg4[%mul3A_2, %dma_start3A_20] : memref<32768x32xf32, #tpu.memory_space<hbm>> -> memref<1024x32xf32, #tpu.memory_space<hbm>>
      tpu.enqueue_dma source(%dma_start3A_21 : memref<1024x32xf32, #tpu.memory_space<hbm>>) target(%arg9 : memref<1024x32xf32, #tpu.memory_space<vmem>>) target_semaphore(%run_scoped3A : memref<!tpu.dma_semaphore, #tpu.memory_space<semaphore_mem>>)
      %dma_wait3A_22 = arith.constant 0 : i32
      %dma_wait3A_23 = tpu.memref_slice %arg4[%mul3A_2, %dma_wait3A_22] : memref<32768x32xf32, #tpu.memory_space<hbm>> -> memref<1024x32xf32, #tpu.memory_space<hbm>>
      %dma_wait3A_24 = arith.constant 0 : i32
      %dma_wait3A_25 = tpu.memref_slice %arg4[%mul3A_2, %dma_wait3A_24] : memref<32768x32xf32, #tpu.memory_space<hbm>> -> memref<1024x32xf32, #tpu.memory_space<hbm>>
      tpu.wait_dma2 semaphore(%run_scoped3A : memref<!tpu.dma_semaphore, #tpu.memory_space<semaphore_mem>>) src(%dma_wait3A_25 : memref<1024x32xf32, #tpu.memory_space<hbm>>) dst(%arg9 : memref<1024x32xf32, #tpu.memory_space<vmem>>)
      tpu.yield
    }) : () -> ()
    %broadcast_in_dim3A = arith.constant 0.000000e+00 : f32
    %broadcast_in_dim3A_7 = vector.broadcast %broadcast_in_dim3A : f32 to vector<16xf32>
    %scan3A = arith.constant 0 : i32
    %scan3A_8 = arith.constant 1024 : i32
    %scan3A_9 = arith.addi %scan3A, %scan3A_8 : i32
    %scan3A_10 = arith.constant 1 : i32
    %scan3A_11 = scf.for %scan3A_18 = %scan3A to %scan3A_9 step %scan3A_10 iter_args(%scan3A_19 = %broadcast_in_dim3A_7) -> (vector<16xf32>)  : i32 {
      %get3A = arith.index_cast %scan3A_18 : i32 to index
      %get3A_20 = arith.constant 0 : index
      %get3A_21 = tpu.vector_load %arg8[%get3A, %get3A_20] {strides = array<i32>} : memref<1024x32xf32, #tpu.memory_space<vmem>>, vector<1x16xf32>,
      %get3A_22 = vector.shape_cast %get3A_21 : vector<1x16xf32> to vector<16xf32>
      %get3A_23 = arith.index_cast %scan3A_18 : i32 to index
      %get3A_24 = arith.constant 0 : index
      %get3A_25 = tpu.vector_load %arg9[%get3A_23, %get3A_24] {strides = array<i32>} : memref<1024x32xf32, #tpu.memory_space<vmem>>, vector<1x16xf32>,
      %get3A_26 = vector.shape_cast %get3A_25 : vector<1x16xf32> to vector<16xf32>
      %sub3A = arith.subf %get3A_22, %get3A_26 : vector<16xf32>
      %add3A_27 = arith.addf %get3A_26, %sub3A : vector<16xf32>
      %swap3A_28 = arith.index_cast %scan3A_18 : i32 to index
      %swap3A_29 = arith.constant 0 : index
      %swap3A_30 = tpu.vector_load %arg8[%swap3A_28, %swap3A_29] {strides = array<i32>} : memref<1024x32xf32, #tpu.memory_space<vmem>>, vector<1x16xf32>,
      %swap3A_31 = vector.shape_cast %swap3A_30 : vector<1x16xf32> to vector<16xf32>
      %swap3A_32 = vector.shape_cast %add3A_27 : vector<16xf32> to vector<1x16xf32>
      tpu.vector_store %arg8[%swap3A_28, %swap3A_29], %swap3A_32 {strides = array<i32>} : memref<1024x32xf32, #tpu.memory_space<vmem>>, vector<1x16xf32>,
      %mul3A_33 = arith.mulf %sub3A, %sub3A : vector<16xf32>
      %add3A_34 = arith.addf %scan3A_19, %mul3A_33 : vector<16xf32>
      %get3A_35 = arith.index_cast %scan3A_18 : i32 to index
      %get3A_36 = arith.constant 16 : index
      %get3A_37 = tpu.vector_load %arg8[%get3A_35, %get3A_36] {strides = array<i32>} : memref<1024x32xf32, #tpu.memory_space<vmem>>, vector<1x16xf32>,
      %get3A_38 = vector.shape_cast %get3A_37 : vector<1x16xf32> to vector<16xf32>
      %get3A_39 = arith.index_cast %scan3A_18 : i32 to index
      %get3A_40 = arith.constant 16 : index
      %get3A_41 = tpu.vector_load %arg9[%get3A_39, %get3A_40] {strides = array<i32>} : memref<1024x32xf32, #tpu.memory_space<vmem>>, vector<1x16xf32>,
      %get3A_42 = vector.shape_cast %get3A_41 : vector<1x16xf32> to vector<16xf32>
      %sub3A_43 = arith.subf %get3A_38, %get3A_42 : vector<16xf32>
      %add3A_44 = arith.addf %get3A_42, %sub3A_43 : vector<16xf32>
      %swap3A_45 = arith.index_cast %scan3A_18 : i32 to index
      %swap3A_46 = arith.constant 16 : index
      %swap3A_47 = tpu.vector_load %arg8[%swap3A_45, %swap3A_46] {strides = array<i32>} : memref<1024x32xf32, #tpu.memory_space<vmem>>, vector<1x16xf32>,
      %swap3A_48 = vector.shape_cast %swap3A_47 : vector<1x16xf32> to vector<16xf32>
      %swap3A_49 = vector.shape_cast %add3A_44 : vector<16xf32> to vector<1x16xf32>
      tpu.vector_store %arg8[%swap3A_45, %swap3A_46], %swap3A_49 {strides = array<i32>} : memref<1024x32xf32, #tpu.memory_space<vmem>>, vector<1x16xf32>,
      %mul3A_50 = arith.mulf %sub3A_43, %sub3A_43 : vector<16xf32>
      %add3A_51 = arith.addf %add3A_34, %mul3A_50 : vector<16xf32>
      scf.yield %add3A_51 : vector<16xf32>
    }
    %scan3A_12 = arith.constant 1024 : i32
    %swap3A = arith.constant 0 : index
    %swap3A_13 = tpu.vector_load %arg10[%swap3A] {strides = array<i32>} : memref<16xf32, #tpu.memory_space<vmem>>, vector<16xf32>,
    %swap3A_14 = vector.shape_cast %swap3A_13 : vector<16xf32> to vector<16xf32>
    %swap3A_15 = vector.shape_cast %scan3A_11 : vector<16xf32> to vector<16xf32>
    tpu.vector_store %arg10[%swap3A], %swap3A_15 {strides = array<i32>} : memref<16xf32, #tpu.memory_space<vmem>>, vector<16xf32>,
    "tpu.region"() ({
      %run_scoped3A = tpu.sem_alloc : memref<!tpu.dma_semaphore, #tpu.memory_space<semaphore_mem>>
      %dma_start3A_18 = arith.constant 0 : i32
      %dma_start3A_19 = tpu.memref_slice %arg5[%mul3A_2, %dma_start3A_18] : memref<32768x32xf32, #tpu.memory_space<hbm>> -> memref<1024x32xf32, #tpu.memory_space<hbm>>
      %dma_start3A_20 = arith.constant 0 : i32
      %dma_start3A_21 = tpu.memref_slice %arg5[%mul3A_2, %dma_start3A_20] : memref<32768x32xf32, #tpu.memory_space<hbm>> -> memref<1024x32xf32, #tpu.memory_space<hbm>>
      tpu.enqueue_dma source(%arg8 : memref<1024x32xf32, #tpu.memory_space<vmem>>) target(%dma_start3A_21 : memref<1024x32xf32, #tpu.memory_space<hbm>>) target_semaphore(%run_scoped3A : memref<!tpu.dma_semaphore, #tpu.memory_space<semaphore_mem>>)
      %dma_wait3A_22 = arith.constant 0 : i32
      %dma_wait3A_23 = tpu.memref_slice %arg5[%mul3A_2, %dma_wait3A_22] : memref<32768x32xf32, #tpu.memory_space<hbm>> -> memref<1024x32xf32, #tpu.memory_space<hbm>>
      %dma_wait3A_24 = arith.constant 0 : i32
      %dma_wait3A_25 = tpu.memref_slice %arg5[%mul3A_2, %dma_wait3A_24] : memref<32768x32xf32, #tpu.memory_space<hbm>> -> memref<1024x32xf32, #tpu.memory_space<hbm>>
      tpu.wait_dma2 semaphore(%run_scoped3A : memref<!tpu.dma_semaphore, #tpu.memory_space<semaphore_mem>>) src(%arg8 : memref<1024x32xf32, #tpu.memory_space<vmem>>) dst(%dma_wait3A_25 : memref<1024x32xf32, #tpu.memory_space<hbm>>)
      tpu.yield
    }) : () -> ()
    %mul3A_16 = arith.constant 16 : i32
    %mul3A_17 = arith.muli %add3A, %mul3A_16 : i32
    "tpu.region"() ({
      %run_scoped3A = tpu.sem_alloc : memref<!tpu.dma_semaphore, #tpu.memory_space<semaphore_mem>>
      %dma_start3A_18 = tpu.memref_slice %arg6[%mul3A_17] : memref<512xf32, #tpu.memory_space<hbm>> -> memref<16xf32, #tpu.memory_space<hbm>>
      %dma_start3A_19 = tpu.memref_slice %arg6[%mul3A_17] : memref<512xf32, #tpu.memory_space<hbm>> -> memref<16xf32, #tpu.memory_space<hbm>>
      tpu.enqueue_dma source(%arg10 : memref<16xf32, #tpu.memory_space<vmem>>) target(%dma_start3A_19 : memref<16xf32, #tpu.memory_space<hbm>>) target_semaphore(%run_scoped3A : memref<!tpu.dma_semaphore, #tpu.memory_space<semaphore_mem>>)
      %dma_wait3A_20 = tpu.memref_slice %arg6[%mul3A_17] : memref<512xf32, #tpu.memory_space<hbm>> -> memref<16xf32, #tpu.memory_space<hbm>>
      %dma_wait3A_21 = tpu.memref_slice %arg6[%mul3A_17] : memref<512xf32, #tpu.memory_space<hbm>> -> memref<16xf32, #tpu.memory_space<hbm>>
      tpu.wait_dma2 semaphore(%run_scoped3A : memref<!tpu.dma_semaphore, #tpu.memory_space<semaphore_mem>>) src(%arg10 : memref<16xf32, #tpu.memory_space<vmem>>) dst(%dma_wait3A_21 : memref<16xf32, #tpu.memory_space<hbm>>)
      tpu.yield
    }) : () -> ()
    return
  }
}

module attributes {stable_mosaic.version = 14 : i64} {
  func.func @_loss_body(%arg0: memref<1x512xf32, #tpu.memory_space<vmem>>, %arg1: memref<1x1xf32, #tpu.memory_space<smem>>) attributes {dimension_semantics = [], scalar_prefetch = 0 : i64, scratch_operands = 0 : i64, tpu.core_type = #tpu.core_type<tc>} {
    %get3A = arith.constant 0 : index
    %get3A_0 = arith.constant 0 : index
    %get3A_1 = vector.load %arg0[%get3A, %get3A_0] : memref<1x512xf32, #tpu.memory_space<vmem>>, vector<1x512xf32>
    %reduce_sum3A = vector.shape_cast %get3A_1 : vector<1x512xf32> to vector<1x1x512xf32>
    %reduce_sum3A_2 = arith.constant dense<0.000000e+00> : vector<1xf32>
    %reduce_sum3A_3 = vector.multi_reduction <add>, %reduce_sum3A, %reduce_sum3A_2 [1, 2] : vector<1x1x512xf32> to vector<1xf32>
    %reduce_sum3A_4 = vector.shape_cast %reduce_sum3A_3 : vector<1xf32> to vector<1x1x1xf32>
    %reduce_sum3A_5 = vector.extract %reduce_sum3A_4[0, 0, 0] : f32 from vector<1x1x1xf32>
    %mul3A = arith.constant 1.1920929E-6 : f32
    %mul3A_6 = arith.mulf %reduce_sum3A_5, %mul3A : f32
    %swap3A = arith.constant 0 : index
    %swap3A_7 = arith.constant 0 : index
    %swap3A_8 = memref.load %arg1[%swap3A, %swap3A_7] : memref<1x1xf32, #tpu.memory_space<smem>>
    memref.store %mul3A_6, %arg1[%swap3A, %swap3A_7] : memref<1x1xf32, #tpu.memory_space<smem>>
    return
  }
}

</mosaic_0001>

<sc_bundles>
// kernel: kernel.4.cloned.1.call-start
scs
__scs_entry_jumppad:
0x0: {  	(pc) =	sbr.rel $0x88, $3  }
0x1: {  	(tag) =	ssettag $0x0;
	lr =	simm.s32 $0x1  }
0x2: {  	[smem:$0x3F9F] =	sst lr;
	_ =	strace $0xD0000000  }
0x3: {  	_ = 	snop  }
0x4: {  	_ = 	snop  }
0x5: {  	_ = 	snop  }
0x6: {  	_ = 	snop  }
0x7: {  	_ = 	snop  }
__scs_overlays_trampoline_lowered:
0x8: {  	[smem:$0x3FAE] =	sst s0  }
0x9: {  	[smem:$0x3FAF] =	sst s1  }
0xa: {  	[smem:$0x3FB0] =	sst s2  }
0xb: {  	[smem:$0x3FB1] =	sst s3  }
0xc: {  	[smem:$0x3FB2] =	sst s4  }
0xd: {  	[smem:$0x3FB3] =	sst s5  }
0xe: {  	[smem:$0x3FB4] =	sst s6  }
0xf: {  	[smem:$0x3FB5] =	sst s7  }
0x10: {  	[smem:$0x3FB6] =	sst s8  }
0x11: {  	[smem:$0x3FB7] =	sst s9;
	s0 =	simm.s32 @!p0 $0x0  }
0x12: {  	s1 =	sld [smem:$0x3F9D];
	s0 =	simm.s32 @p0 $0x1  }
0x13: {  	[smem:$0x3FB8] =	sst s0;
	s0 =	simm.s32 @!p1 $0x0  }
0x14: {  	s2 =	sld [smem:$0x3F9C];
	s0 =	simm.s32 @p1 $0x1  }
0x15: {  	[smem:$0x3FB9] =	sst s0;
	s0 =	simm.s32 @!p2 $0x0  }
0x16: {  	s3 =	sld [smem:$0x3FDB];
	s0 =	simm.s32 @p2 $0x1  }
0x17: {  	s4 =	simm.s32 $0x1BF5;
	[smem:$0x3FBB] =	sst s0  }
0x18: {  	s0 =	sld [smem:$0x3F9E];
	_ =	swait.ge [sflag:s4], $0x0  }
0x19: {  	s7 =	sld [smem:$0x3F9F]  }
0x1a: {  	s8 =	sadd.s32 $0xFFFFE003, lr  }
0x1b: {  	s9 =	sadd.s32 $0xFFFFFEF7, lr;
	s5 =	simm.s32 $0xFFFFFFFF;
	p2 =	slt.u32 s8, $0xFFFFF086  }
0x1c: {  	p1 =	slt.u32 s9, $0xF7A;
	s5 =	simm.s32 @!p2 $0x0  }
0x1d: {  	s5 =	simm.s32 @p1 $0x1;
	p0 =	seq.s32 s7, s2  }
0x1e: {  	s7 =	smul.u32 @!p0 $0xF7A, s2;
	p2 =	seq.s32 @!p0 s5, $0x0  }
0x1f: {  	s9 =	smul.u32 $0xF7A, s1;
	s8 =	simm.s32 @!p0 $0x1BF5;
	p2 =	por !p2, p0  }
0x20: {  	[sflag:s8] =	ssyncset.s32 @!p0 $0xFFFFF086;
	s6 =	sadd.s32 @!p0 s3, s7;
	s7 =	simm.s32 @!p0 $0x108  }
0x21: {  	s3 =	sadd.s32 s3, s9;
	s6 =	sadd.s32 @!p0 $0x88, s6;
	s7 =	simm.s32 @p2 $0x1082  }
0x22: {  	[simem:s7], [sflag:s8] =	dma.local @!p0 [hbm:s6], $0xF7A  }
0x23: {  	s9 =	sor.u32 $0xD0000000, s2;
	s6 =	simm.s32 $0x108;
	_ =	swait.ge @!p0 [sflag:s8], $0x0  }
0x24: {  	s3 =	sadd.s32 $0x88, s3;
	s6 =	simm.s32 @!p1 $0x1082;
	[sflag:s4] =	ssyncset.s32 $0xFFFFF086  }
0x25: {  	[simem:s6], [sflag:s4] =	dma.local [hbm:s3], $0xF7A  }
0x26: {  	[smem:$0x3F9F] =	sst s1;
	(tag) =	ssettag s2;
	_ =	strace s9  }
0x27: {  	s1 =	sld [smem:$0x3FAF]  }
0x28: {  	s2 =	sld [smem:$0x3FB0]  }
0x29: {  	s4 =	sld [smem:$0x3FB2]  }
0x2a: {  	p0 =	seq.s32 s5, $0x0;
	s5 =	sld [smem:$0x3FB3]  }
0x2b: {  	s6 =	sld [smem:$0x3FB4]  }
0x2c: {  	s7 =	sld [smem:$0x3FB5]  }
0x2d: {  	s3 =	simm.s32 $0x108;
	s8 =	sld [smem:$0x3FB6]  }
0x2e: {  	s3 =	simm.s32 @!p0 $0x1082;
	s9 =	sld [smem:$0x3FB7]  }
0x2f: {  	lr =	sadd.s32 s0, s3;
	s0 =	sld [smem:$0x3FAE]  }
0x30: {  	s3 =	sld [smem:$0x3FB1]  }
0x31: {  	[smem:$0x3FBA] =	sst s10  }
0x32: {  	s10 =	sld [smem:$0x3FB8];
	_ =	sdelay $0x3  }
0x33: {  	p0 =	seq.s32 s10, $0x1;
	s10 =	sld [smem:$0x3FBA];
	_ =	sdelay $0x3  }
0x34: {  	[smem:$0x3FBA] =	sst s10  }
0x35: {  	s10 =	sld [smem:$0x3FB9];
	_ =	sdelay $0x3  }
0x36: {  	p1 =	seq.s32 s10, $0x1;
	s10 =	sld [smem:$0x3FBA];
	_ =	sdelay $0x3  }
0x37: {  	[smem:$0x3FBA] =	sst s10  }
0x38: {  	s10 =	sld [smem:$0x3FBB]  }
0x39: {  	_ = 	snop;
	(pc) =	sbr.ind lr, $3  }
0x3a: {  	_ = 	snop  }
0x3b: {  	_ = 	snop  }
0x3c: {  	p2 =	seq.s32 s10, $0x1;
	s10 =	sld [smem:$0x3FBA]  }
0x3d: {  	_ =	shalt  }
0x3e: {  	_ =	shalt  }
0x3f: {  	_ =	shalt  }
0x40: {  	_ =	shalt  }
0x41: {  	_ =	shalt  }
0x42: {  	_ =	shalt  }
0x43: {  	_ =	shalt  }
0x44: {  	_ =	shalt  }
0x45: {  	_ =	shalt  }
0x46: {  	_ =	shalt  }
0x47: {  	_ =	shalt  }
0x48: {  	_ =	shalt  }
0x49: {  	_ =	shalt  }
0x4a: {  	_ =	shalt  }
0x4b: {  	_ =	shalt  }
0x4c: {  	_ =	shalt  }
0x4d: {  	_ =	shalt  }
0x4e: {  	_ =	shalt  }
0x4f: {  	_ =	shalt  }
0x50: {  	_ =	shalt  }
0x51: {  	_ =	shalt  }
0x52: {  	_ =	shalt  }
0x53: {  	_ =	shalt  }
0x54: {  	_ =	shalt  }
0x55: {  	_ =	shalt  }
0x56: {  	_ =	shalt  }
0x57: {  	_ =	shalt  }
0x58: {  	_ =	shalt  }
0x59: {  	_ =	shalt  }
0x5a: {  	_ =	shalt  }
0x5b: {  	_ =	shalt  }
0x5c: {  	_ =	shalt  }
0x5d: {  	_ =	shalt  }
0x5e: {  	_ =	shalt  }
0x5f: {  	_ =	shalt  }
0x60: {  	_ =	shalt  }
0x61: {  	_ =	shalt  }
0x62: {  	_ =	shalt  }
0x63: {  	_ =	shalt  }
0x64: {  	_ =	shalt  }
0x65: {  	_ =	shalt  }
0x66: {  	_ =	shalt  }
0x67: {  	_ =	shalt  }
0x68: {  	_ =	shalt  }
0x69: {  	_ =	shalt  }
0x6a: {  	_ =	shalt  }
0x6b: {  	_ =	shalt  }
0x6c: {  	_ =	shalt  }
0x6d: {  	_ =	shalt  }
0x6e: {  	_ =	shalt  }
0x6f: {  	_ =	shalt  }
0x70: {  	_ =	shalt  }
0x71: {  	_ =	shalt  }
0x72: {  	_ =	shalt  }
0x73: {  	_ =	shalt  }
0x74: {  	_ =	shalt  }
0x75: {  	_ =	shalt  }
0x76: {  	_ =	shalt  }
0x77: {  	_ =	shalt  }
0x78: {  	_ =	shalt  }
0x79: {  	_ =	shalt  }
0x7a: {  	_ =	shalt  }
0x7b: {  	_ =	shalt  }
0x7c: {  	_ =	shalt  }
0x7d: {  	_ =	shalt  }
0x7e: {  	_ =	shalt  }
0x7f: {  	_ =	shalt  }
0x80: {  	_ =	shalt  }
0x81: {  	_ =	shalt  }
0x82: {  	_ =	shalt  }
0x83: {  	_ =	shalt  }
0x84: {  	_ =	shalt  }
0x85: {  	_ =	shalt  }
0x86: {  	_ =	shalt  }
0x87: {  	_ =	shalt  }
.Lfunc_end0:
.L_simem_size_0:
called_computation_lowered:
.L_overlay_start_0:
0x88: {  	s2 =	sld [smem:$0x3FD9]  }
0x89: {  	s3 =	sld [smem:$0x3FFE];
	_ =	sdelay $0x1  }
0x8a: {  	s1 =	srdreg.scid  }
0x8b: {  	s0 =	sand.u32 $0x1, s1  }
0x8c: {  	s14 =	sshll.u32 s0, $0xA;
	s2 =	sadd.s32 s3, s2  }
0x8d: {  	s2 =	sadd.s32 s2, s14  }
0x8e: {  	[smem:$0x3FC6] =	sst s2  }
0x8f: {  	_ = 	snop  }
0x90: {  	s2 =	sld [smem:$0x3FD0];
	_ =	sdelay $0x2  }
0x91: {  	s15 =	simm.s32 $0xA;
	s4 =	simm.s32 $0x10  }
0x92: {  	[smem:s4], [sflag:s15] =	dma.local [hbm:s2], $0x1  }
0x93: {  	_ =	swait.eq [sflag:s15], $0x1  }
0x94: {  	[sflag:s15] =	ssyncset.done $0x0  }
0x95: {  	s16 =	sld [smem:$0x10];
	[sflag:s15] =	ssyncadd.s32 $0xFFFFFFFF  }
0x96: {  	s17 =	sld [smem:$0x12];
	(tm) =	ssettm $0x1  }
0x97: {  	s18 =	sld [smem:$0x3FFB];
	_ =	sdelay $0x3  }
0x98: {  	_ =	strace s18  }
0x99: {  	s4 =	sld [smem:$0x3FFC];
	_ =	sdelay $0x3  }
0x9a: {  	_ =	strace s4  }
0x9b: {  	s4 =	sld [smem:$0x3FFD];
	_ =	sdelay $0x3  }
0x9c: {  	_ =	strace s4  }
0x9d: {  	_ =	strace $0x8FFFFFFF  }
0x9e: {  	s19 =	sld [smem:$0x3FDB];
	_ =	sdelay $0x1  }
0x9f: {  	s5 =	simm.s32 $_scs_section_size  }
0xa0: {  	s6 =	simm.s32 $_size__tile_overlayer_lowered;
	s7 =	simm.s32 $_tile_overlayer_lowered  }
0xa1: {  	s22 =	simm.s32 $0x1BFF;
	s21 =	sshll.u32 s7, $0x1;
	s4 =	sadd.s32 s5, s19  }
0xa2: {  	s8 =	simm.s32 $0x0;
	s20 =	sshll.u32 s6, $0x1;
	s6 =	sadd.s32 s21, s4  }
0xa3: {  	[timem:s8], [sflag:s22] =	dma.local [hbm:s6], s20  }
0xa4: {  	_ =	swait.ge [sflag:s22], s20  }
0xa5: {  	s5 =	ssub.s32 $0x0, s20;
	[sflag:s22] =	ssyncset.done $0x0  }
0xa6: {  	[sflag:s22] =	ssyncadd.s32 s5;
	_ =	sdelay $0x1  }
0xa7: {  	s23 =	simm.s32 $0x1B8B  }
0xa8: {  	_ =	swait.ge [sflag:s23], $0x1  }
0xa9: {  	[sflag:s23] =	ssyncset.done $0x0  }
0xaa: {  	s25 =	simm.s32 $0x1B8E;
	s24 =	sld [smem:$0x3FFE];
	[sflag:s23] =	ssyncadd.s32 $0xFFFFFFFF  }
0xab: {  	s26 =	simm.s32 $execute0_lowered;
	[smem:$0x3FD2] =	sst s25  }
0xac: {  	s6 =	sshll.u32 s26, $0x1;
	_ =	strace $0x80000046;
	[dreg:$0x1] =	wrdreg $0xFFFFFFFF  }
0xad: {  	s28 =	simm.s32 $_size_execute0_lowered;
	s4 =	sadd.s32 s4, s6;
	[dreg:$0x0] =	wrdreg $0x0  }
0xae: {  	s6 =	sshll.u32 s28, $0x1;
	[dreg:$0x2] =	wrdreg s4  }
0xaf: {  	[dreg:$0x3] =	wrdreg s6  }
0xb0: {  	[dreg:$0x4] =	wrdreg $0xC0  }
0xb1: {  	_ =	task [dreg:s8], $0x5FFFF  }
0xb2: {  	[dreg:$0x1] =	wrdreg $0xFFFFFFFF  }
0xb3: {  	[dreg:$0x0] =	wrdreg $0x60  }
0xb4: {  	[dreg:$0x2] =	wrdreg s24  }
0xb5: {  	[dreg:$0x3] =	wrdreg s17  }
0xb6: {  	[dreg:$0x4] =	wrdreg s16  }
0xb7: {  	[dreg:$0x5] =	wrdreg $0x9  }
0xb8: {  	_ =	task.clear_ibuf [dreg:s8], $0x6FFFF;
	_ =	strace $0x90000046  }
0xb9: {  	s29 =	simm.s32 $0x9;
	_ =	strace $0x80000048  }
0xba: {  	_ =	swait.ge [sflag:s29], $0x1  }
0xbb: {  	[sflag:s29] =	ssyncadd.s32 $0xFFFFFFFF  }
0xbc: {  	_ =	strace $0x90000048  }
0xbd: {  	_ =	sfence  }
0xbe: {  	s30 =	sld [smem:$0x0];
	_ =	sdelay $0x2  }
0xbf: {  	s31 =	sshll.u32 s1, $0xD;
	s1 =	sshrl.u32 s1, $0x2  }
0xc0: {  	s3 =	sand.u32 $0x4000, s31;
	s1 =	sadd.s32 s1, s30  }
0xc1: {  	s0 =	sor.u32 s3, s0;
	s1 =	sshll.u32 s1, $0x11  }
0xc2: {  	s0 =	sor.u32 s1, s0  }
0xc3: {  	s0 =	sadd.s32 $0x8F2B, s0  }
0xc4: {  	[sflag:s0] =	ssyncadd.remote.s32 $0x1  }
0xc5: {  	_ =	sfence.sel $0xFFFF  }
0xc6: {  	[dreg:$0x0] =	wrdreg $0xFFFFFFFF;
	(pc) =	sbr.abs _section_cstart, $3  }
0xc7: {  	[dreg:$0x1] =	wrdreg $0xFFFFFFFF  }
0xc8: {  	_ =	task.clear_ibuf [dreg:s8], $0x2FFFF;
	_ =	strace $0x9FFFFFFF  }
0xc9: {  	(tm) =	ssettm $0x7FFFFFFF  }
tec
execute0_lowered:
.L_overlay_start_1:
0x0: {  	(tag) =	ssettag $0x1  }
0x1: {  	s7 =	rddreg [dreg:$0x0]  }
0x2: {  	s4 =	rddreg [dreg:$0x1]  }
0x3: {  	s5 =	rddreg [dreg:$0x2]  }
0x4: {  	s0 =	rddreg [dreg:$0x3]  }
0x5: {  	s2 =	simm.s32 $0x0;
	s3 =	srdreg.scid;
	s1 =	stileid.u32  }
0x6: {  	s12 =	simm.s32 $0x8400;
	s13 =	simm.s32 $0x10400;
	s14 =	simm.s32 $0x0  }
0x7: {  	[smem:$0x7FF] =	sst s2;
	s3 =	sand.u32 $0x1, s3;
	s6 =	sshll.u32 s1, $0x1  }
0x8: {  	_ =	strace $0x80000047;
	s6 =	sor.u32 s3, s6;
	s8 =	ssub.s32 $0x2, s3  }
0x9: {  	s3 =	sadd.s32 $0x80000, s7;
	s9 =	sshll.u32 s6, $0xC;
	s10 =	sshrl.u32 s8, $0x1  }
0xa: {  	s30 =	sshll.u32 s6, $0x7;
	s31 =	sshll.u32 s6, $0x1;
	s11 =	sadd.s32 s9, s7  }
0xb: {  	s8 =	ssub.s32 s8, s10;
	s4 =	sadd.s32 s4, s30;
	s5 =	sadd.s32 s5, s9  }
0xc: {  	s7 =	sadd.s32 s7, s31;
	s9 =	simm.s32 $0x2;
	s10 =	simm.s32 $0x400  }
0xd: {  	s6 =	sadd.s32 $0x200, s11;
	s8 =	smax.u32 s8, $0x1;
	s11 =	simm.s32 $0x1  }
.LBB2_1:
0xe: {  	[tilespmem:s2], [sflag:$0x2] =	stream.linear.gather [hbm4b:s4+s2], $0x400, $0x38;
	[tilespmem:$0x10410] =	vst v63  }
0xf: {  	_ =	swait.ge [sflag:s9], $0x400  }
0x10: {  	[sflag:s9] =	ssyncset.done $0x0  }
0x11: {  	[sflag:s9] =	ssyncadd.s32 $0xFFFFFC00  }
0x12: {  	[tilespmem:s10], [sflag:$0x1] =	stream.indirect.gather [hbm4b:s3+s10], $0x20, s2, s10, $0xb8;
	[tilespmem:$0x10410] =	vst v63  }
0x13: {  	_ =	swait.ge [sflag:s11], $0x8000  }
0x14: {  	[sflag:s11] =	ssyncset.done $0x0  }
0x15: {  	[sflag:s11] =	ssyncadd.s32 $0xFFFF8000  }
0x16: {  	[tilespmem:s12], [sflag:$0x2] =	stream.linear.gather [hbm4b:s5+s2], $0x8000, $0x38;
	[tilespmem:$0x10410] =	vst v63  }
0x17: {  	_ =	swait.ge [sflag:s9], $0x8000  }
0x18: {  	[sflag:s9] =	ssyncset.done $0x0  }
0x19: {  	s15 =	simm.s32 $0x0;
	[sflag:s9] =	ssyncadd.s32 $0xFFFF8000  }
0x1a: {  	v3 =	vld [tilespmem:s15+$0x8410]  }
0x1b: {  	v0 =	vld [tilespmem:s15+$0x8400]  }
0x1c: {  	v1 =	vld [tilespmem:s15+$0x400]  }
0x1d: {  	v2 =	vld [tilespmem:s15+$0x410];
	_ =	sdelay $0x3  }
0x1e: {  	v5 =	vsub.f32 v1, v0  }
0x1f: {  	v6 =	vsub.f32 v2, v3  }
0x20: {  	s16 =	simm.s32 $0x20;
	v4 =	vadd.f32 v5, v0;
	v2 =	vmul.f32 v5, v5  }
0x21: {  	s17 =	simm.s32 $0x100;
	v1 =	vimm.f32 $0.0e+00;
	v0 =	vld [tilespmem:s16+$0x8410];
	v5 =	vadd.f32 v6, v3;
	v3 =	vmul.f32 v6, v6  }
.LBB2_2:
0x22: {  	p0 =	sne.s32 s17, $0x1FF80;
	v6 =	vld [tilespmem:s16+$0x8400];
	[tilespmem:s15+$0x400] =	vst v4;
	v1 =	vadd.f32 v2, v1  }
0x23: {  	v2 =	vld [tilespmem:s16+$0x400];
	[tilespmem:s15+$0x410] =	vst v5;
	s15 =	smov.u32 s16  }
0x24: {  	v4 =	vld [tilespmem:s15+$0x410];
	v1 =	vadd.f32 v3, v1;
	_ =	sdelay $0x2  }
.Ltmp0:
0x25: {  	(pc) =	sbr.rel @p0 .LBB2_2-.Ltmp0, $4  }
0x26: {  	v2 =	vsub.f32 v2, v6  }
0x27: {  	v3 =	vsub.f32 v4, v0  }
0x28: {  	s16 =	sshra.s32 s17, $0x2;
	v4 =	vadd.f32 v2, v6;
	v2 =	vmul.f32 v2, v2  }
0x29: {  	s17 =	sadd.s32 $0x80, s17;
	v5 =	vadd.f32 v3, v0;
	v0 =	vld [tilespmem:s16+$0x8410];
	v3 =	vmul.f32 v3, v3  }
0x2a: {  	v6 =	vld [tilespmem:s16+$0x8400];
	[tilespmem:s15+$0x400] =	vst v4  }
0x2b: {  	v4 =	vld [tilespmem:s16+$0x400]  }
0x2c: {  	[tilespmem:s15+$0x410] =	vst v5  }
0x2d: {  	v5 =	vld [tilespmem:s16+$0x410];
	_ =	sdelay $0x2  }
0x2e: {  	v1 =	vadd.f32 v2, v1;
	v62 =	vsub.f32 v4, v6;
	_ =	sdelay $0x1  }
0x2f: {  	v1 =	vadd.f32 v3, v1;
	v63 =	vsub.f32 v5, v0;
	v4 =	vmul.f32 v62, v62;
	_ =	sdelay $0x1  }
0x30: {  	v2 =	vadd.f32 v62, v6;
	v5 =	vmul.f32 v63, v63;
	v1 =	vadd.f32 v4, v1  }
0x31: {  	v0 =	vadd.f32 v63, v0  }
0x32: {  	[tilespmem:s16+$0x400] =	vst v2;
	v1 =	vadd.f32 v5, v1  }
0x33: {  	[tilespmem:s16+$0x410] =	vst v0  }
0x34: {  	[tilespmem:$0x10400] =	vst v1  }
0x35: {  	[hbm4b:s6+s2] =	stream.linear.scatter [tilespmem:s10], [sflag:$0x2], $0x8000, $0x38;
	[tilespmem:$0x10410] =	vst v63  }
0x36: {  	s14 =	sadd.s32 $0x1, s14;
	_ =	swait.ge [sflag:s9], $0x8000  }
0x37: {  	p0 =	sne.s32 s14, s8;
	[sflag:s9] =	ssyncset.done $0x0  }
.Ltmp1:
0x38: {  	[sflag:s9] =	ssyncadd.s32 $0xFFFF8000;
	(pc) =	sbr.rel @p0 .LBB2_1-.Ltmp1, $4  }
0x39: {  	[hbm4b:s7+s2] =	stream.linear.scatter [tilespmem:s13], [sflag:$0x2], $0x10, $0x38;
	[tilespmem:$0x10410] =	vst v63  }
0x3a: {  	_ =	swait.ge [sflag:s9], $0x10  }
0x3b: {  	[sflag:s9] =	ssyncset.done $0x0  }
0x3c: {  	[sflag:s9] =	ssyncadd.s32 $0xFFFFFFF0  }
0x3d: {  	_ =	sfence.sel $0x180000  }
0x3e: {  	[bflag:$0x0] =	sbarrier.arrive $0xFFFF  }
0x3f: {  	p0 =	sne.s32 s1, $0x0;
	_ =	strace $0x90000047  }
0x40: {  	s0 =	sadd.s32 @!p0 $0x100000, s0;
	[bflag:$0x2] =	sbarrier.arrive $0xFFFF  }
0x41: {  	[sflag:s0] =	ssyncadd.tile.s32 @!p0 $0x1;
	_ =	shalt  }
.Lfunc_end2:
_tile_overlayer_lowered:
.L_overlay_start_2:
0x42: {  	(tag) =	ssettag $0x2  }
0x43: {  	s0 =	rddreg [dreg:$0x0];
	s2 =	stileid.u32  }
0x44: {  	s1 =	rddreg [dreg:$0x1];
	p0 =	sne.s32 s2, $0x0  }
0x45: {  	s3 =	rddreg [dreg:$0x2];
	[bflag:$0x3] =	sbarrier.arrive $0xFFFF;
	s2 =	simm.s32 @!p0 $0x1C02  }
0x46: {  	[timem:s3], [sflag:s2] =	dma.local @!p0 [hbm:s0], s1  }
0x47: {  	s0 =	simm.s32 @!p0 $0x2  }
0x48: {  	_ =	swait.ge @!p0 [sflag:s0], s1  }
0x49: {  	s1 =	ssub.s32 @!p0 $0x0, s1;
	[sflag:s0] =	ssyncset.done @!p0 $0x0  }
0x4a: {  	[sflag:s0] =	ssyncadd.s32 @!p0 s1  }
0x4b: {  	[bflag:$0x3] =	sbarrier.arrive $0xFFFF  }
0x4c: {  	_ =	shalt  }

</sc_bundles>
